<compile_context>
chip_gen: v7x
topology: tpu7x:2x2x1
jax: 0.10.2.dev20260603
libtpu: 0.0.44.dev20260713+nightly
codegen_flags: <defaults>
</compile_context>

<pallas_src>
import functools

import jax
import jax.numpy as jnp
from jax import lax
from jax.experimental import pallas as pl
from jax.experimental.pallas import tpu as pltpu
from jax.experimental.pallas import tpu_sc as plsc

LLM_D = 2048
VIT_D = 1024
POOL = 64
TOPK = 8
ALPHA = 16
IN_F = 2048
OUT_F = 2048
TOK = 8192

TILE = 512
SCALING = ALPHA / TOPK
K_RATIO = VIT_D / LLM_D

LANES = 16
KEYS_PER_TILE = 2


def _sc_scores(kl, kv, ql, qv):
    mesh = plsc.VectorSubcoreMesh(core_axis_name="c", subcore_axis_name="s")

    @functools.partial(
        pl.kernel,
        mesh=mesh,
        out_type=jax.ShapeDtypeStruct((POOL, LANES), jnp.float32),
        scratch_types=[
            pltpu.VMEM((KEYS_PER_TILE, LLM_D), jnp.float32),
            pltpu.VMEM((KEYS_PER_TILE, VIT_D), jnp.float32),
            pltpu.VMEM((LLM_D,), jnp.float32),
            pltpu.VMEM((VIT_D,), jnp.float32),
            pltpu.VMEM((KEYS_PER_TILE, LANES), jnp.float32),
        ],
    )
    def sc_kernel(kl_hbm, kv_hbm, ql_hbm, qv_hbm, o_hbm,
                  kl_v, kv_v, ql_v, qv_v, res_v):
        wid = lax.axis_index("s") * 2 + lax.axis_index("c")
        base = wid * KEYS_PER_TILE
        pltpu.sync_copy(kl_hbm.at[pl.ds(base, KEYS_PER_TILE), :], kl_v)
        pltpu.sync_copy(kv_hbm.at[pl.ds(base, KEYS_PER_TILE), :], kv_v)
        pltpu.sync_copy(ql_hbm, ql_v)
        pltpu.sync_copy(qv_hbm, qv_v)

        for kk in range(KEYS_PER_TILE):
            kl_row = kl_v.at[kk]
            kv_row = kv_v.at[kk]

            def llm_body(i, acc):
                j = i * LANES
                return acc + kl_row[pl.ds(j, LANES)] * ql_v[pl.ds(j, LANES)]

            def vit_body(i, acc):
                j = i * LANES
                return acc + kv_row[pl.ds(j, LANES)] * qv_v[pl.ds(j, LANES)]

            acc = lax.fori_loop(0, LLM_D // LANES, llm_body,
                                jnp.zeros((LANES,), jnp.float32))
            accv = lax.fori_loop(0, VIT_D // LANES, vit_body,
                                 jnp.zeros((LANES,), jnp.float32))
            res_row = res_v.at[kk]
            res_row[...] = acc + K_RATIO * accv

        pltpu.sync_copy(res_v, o_hbm.at[pl.ds(base, KEYS_PER_TILE), :])

    return sc_kernel(kl, kv, ql, qv)


def _fused_kernel(x_ref, sacc_ref, a_ref, b_pool_ref, w_ref, bias_ref,
                  o_ref, weff_ref):
    @pl.when(pl.program_id(0) == 0)
    def _fold():
        s_vec = jnp.sum(sacc_ref[...], axis=1)
        s_row = jnp.reshape(s_vec, (1, POOL))
        s_col = jnp.reshape(s_vec, (POOL, 1))
        j_idx = jax.lax.broadcasted_iota(jnp.int32, (POOL, POOL), 1)
        k_idx = jax.lax.broadcasted_iota(jnp.int32, (POOL, POOL), 0)
        beats = (s_row > s_col) | ((s_row == s_col) & (j_idx < k_idx))
        rank = jnp.sum(beats.astype(jnp.int32), axis=1, keepdims=True)
        mask = (rank < TOPK).astype(jnp.float32)
        a_m = a_ref[...] * (jnp.reshape(mask, (1, POOL)) * SCALING)
        delta = jax.lax.dot_general(b_pool_ref[...], a_m,
                                    (((0,), (1,)), ((), ())))
        weff_ref[...] = (w_ref[...] + delta).astype(jnp.bfloat16)

    out = jax.lax.dot_general(x_ref[...], weff_ref[...],
                              (((1,), (1,)), ((), ())),
                              preferred_element_type=jnp.float32)
    o_ref[...] = out + bias_ref[...]


@jax.jit
def kernel(x, llm_query, vit_query, static_keys_llm, static_keys_vit,
           A_pool, B_pool, W, b):
    bias = jnp.reshape(b, (1, OUT_F))

    sacc = _sc_scores(static_keys_llm, static_keys_vit, llm_query, vit_query)

    full = lambda shape: pl.BlockSpec(shape, lambda i: (0, 0))
    return pl.pallas_call(
        _fused_kernel,
        grid=(TOK // TILE,),
        in_specs=[
            pl.BlockSpec((TILE, IN_F), lambda i: (i, 0)),
            full((POOL, LANES)),
            full((IN_F, POOL)),
            full((POOL, OUT_F)),
            full((OUT_F, IN_F)),
            full((1, OUT_F)),
        ],
        out_specs=pl.BlockSpec((TILE, OUT_F), lambda i: (i, 0)),
        out_shape=jax.ShapeDtypeStruct((TOK, OUT_F), jnp.float32),
        scratch_shapes=[pltpu.VMEM((OUT_F, IN_F), jnp.bfloat16)],
        compiler_params=pltpu.CompilerParams(
            dimension_semantics=("arbitrary",),
        ),
    )(x, sacc, A_pool, B_pool, W, bias)

# --- scband reference (transcript-rebuilt; emitter-appended) ---
"""Pipeline reference for scband-lrp-model-1735166787848 (READ-ONLY COPY).

The authoritative reference and input builder live on the scoring server;
editing this copy changes nothing except your own understanding.
"""

import jax, jax.numpy as jnp
import numpy as np

LLM_D = 2048   # llm_qk_hidden_size
VIT_D = 1024   # vit_qk_hidden_size
POOL = 64      # llm_static_rank_size (expert/rank pool)
TOPK = 8       # llm_train_rank_size (selected ranks)
ALPHA = 16     # llm_lora_alpha
IN_F = 2048
OUT_F = 2048
TOK = 8192     # batch=4 * seq_len=2048


def setup_inputs(seed: int = 0) -> dict:
    key = jax.random.key(seed)
    ks = jax.random.split(key, 9)
    x = jax.random.normal(ks[0], (TOK, IN_F), dtype=jnp.float32)
    llm_query = jax.random.normal(ks[1], (LLM_D,), dtype=jnp.float32)
    vit_query = jax.random.normal(ks[2], (VIT_D,), dtype=jnp.float32)
    # static key pools, L2-normalized along dim=1 (as in create_key_pool)
    skl = jax.random.normal(ks[3], (POOL, LLM_D), dtype=jnp.float32)
    static_keys_llm = skl / jnp.linalg.norm(skl, axis=1, keepdims=True)
    skv = jax.random.normal(ks[4], (POOL, VIT_D), dtype=jnp.float32)
    static_keys_vit = skv / jnp.linalg.norm(skv, axis=1, keepdims=True)
    # static low-rank pools held by the LlmLrpLinear target module
    A_pool = jax.random.normal(ks[5], (IN_F, POOL), dtype=jnp.float32) * 0.02
    B_pool = jax.random.normal(ks[6], (POOL, OUT_F), dtype=jnp.float32) * 0.02
    # frozen base linear weights
    W = jax.random.normal(ks[7], (OUT_F, IN_F), dtype=jnp.float32) * 0.02
    b = jax.random.normal(ks[8], (OUT_F,), dtype=jnp.float32) * 0.02
    return {
        'x': x, 'llm_query': llm_query, 'vit_query': vit_query,
        'static_keys_llm': static_keys_llm, 'static_keys_vit': static_keys_vit,
        'A_pool': A_pool, 'B_pool': B_pool, 'W': W, 'b': b,
    }


def reference(x, llm_query, vit_query, static_keys_llm, static_keys_vit, A_pool, B_pool, W, b):
    # routing scores, as in LrpModel.init_value:
    # score = einsum('d,kd->k', q_llm, K_llm) + (vit_dim/llm_dim) * einsum('d,kd->k', q_vit, K_vit)
    k_ratio = VIT_D / LLM_D
    score_llm = jnp.einsum('d,kd->k', llm_query, static_keys_llm)
    score_vit = jnp.einsum('d,kd->k', vit_query, static_keys_vit)
    score = score_llm + k_ratio * score_vit
    _, indices = jax.lax.top_k(score, TOPK)
    # gather selected ranks from the static pools
    A_sel = jnp.take(A_pool, indices, axis=1)   # [IN_F, TOPK]
    B_sel = jnp.take(B_pool, indices, axis=0)   # [TOPK, OUT_F]
    # LlmLrpLinear forward: frozen base linear + selected low-rank adapter
    scaling = ALPHA / TOPK
    base = x @ W.T + b
    lora = (x @ A_sel) @ B_sel * scaling
    return base + lora

if __name__ == "__main__":
    import jax
    _d = setup_inputs()
    print(jax.jit(kernel)(*tuple(_d.values())))

</pallas_src>

<mosaic_0001>
#map = affine_map<(d0, d1) -> (0, 0)>
#map1 = affine_map<(d0, d1) -> (0)>
module attributes {stable_mosaic.version = 14 : i64} {
  func.func @sc_kernel(%arg0: i32, %arg1: i32, %arg2: memref<64x2048xf32, #tpu.memory_space<hbm>>, %arg3: memref<64x1024xf32, #tpu.memory_space<hbm>>, %arg4: memref<2048xf32, #tpu.memory_space<hbm>>, %arg5: memref<1024xf32, #tpu.memory_space<hbm>>, %arg6: memref<64x16xf32, #tpu.memory_space<hbm>>, %arg7: memref<2x2048xf32, #tpu.memory_space<vmem>>, %arg8: memref<2x1024xf32, #tpu.memory_space<vmem>>, %arg9: memref<2048xf32, #tpu.memory_space<vmem>>, %arg10: memref<1024xf32, #tpu.memory_space<vmem>>, %arg11: memref<2x16xf32, #tpu.memory_space<vmem>>) attributes {dimension_semantics = [#tpu.dimension_semantics<core_parallel>, #tpu.dimension_semantics<subcore_parallel>], iteration_bounds = array<i64: 2, 16>, scalar_prefetch = 0 : i64, scratch_operands = 5 : i64, tpu.core_type = #tpu.core_type<sc_vector_subcore>, window_params = [{transform_indices = #map}, {transform_indices = #map}, {transform_indices = #map1}, {transform_indices = #map1}, {transform_indices = #map}]} {
    %mul3A = arith.constant 2 : i32
    %mul3A_0 = arith.muli %arg1, %mul3A : i32
    %add3A = arith.addi %mul3A_0, %arg0 : i32
    %mul3A_1 = arith.constant 2 : i32
    %mul3A_2 = arith.muli %add3A, %mul3A_1 : i32
    "tpu.region"() ({
      %run_scoped3A = tpu.sem_alloc : memref<!tpu.dma_semaphore, #tpu.memory_space<semaphore_mem>>
      %dma_start3A = arith.constant 0 : i32
      %dma_start3A_56 = tpu.memref_slice %arg2[%mul3A_2, %dma_start3A] : memref<64x2048xf32, #tpu.memory_space<hbm>> -> memref<2x2048xf32, #tpu.memory_space<hbm>>
      %dma_start3A_57 = arith.constant 0 : i32
      %dma_start3A_58 = tpu.memref_slice %arg2[%mul3A_2, %dma_start3A_57] : memref<64x2048xf32, #tpu.memory_space<hbm>> -> memref<2x2048xf32, #tpu.memory_space<hbm>>
      tpu.enqueue_dma source(%dma_start3A_58 : memref<2x2048xf32, #tpu.memory_space<hbm>>) target(%arg7 : memref<2x2048xf32, #tpu.memory_space<vmem>>) target_semaphore(%run_scoped3A : memref<!tpu.dma_semaphore, #tpu.memory_space<semaphore_mem>>)
      %dma_wait3A = arith.constant 0 : i32
      %dma_wait3A_59 = tpu.memref_slice %arg2[%mul3A_2, %dma_wait3A] : memref<64x2048xf32, #tpu.memory_space<hbm>> -> memref<2x2048xf32, #tpu.memory_space<hbm>>
      %dma_wait3A_60 = arith.constant 0 : i32
      %dma_wait3A_61 = tpu.memref_slice %arg2[%mul3A_2, %dma_wait3A_60] : memref<64x2048xf32, #tpu.memory_space<hbm>> -> memref<2x2048xf32, #tpu.memory_space<hbm>>
      tpu.wait_dma2 semaphore(%run_scoped3A : memref<!tpu.dma_semaphore, #tpu.memory_space<semaphore_mem>>) src(%dma_wait3A_61 : memref<2x2048xf32, #tpu.memory_space<hbm>>) dst(%arg7 : memref<2x2048xf32, #tpu.memory_space<vmem>>)
      tpu.yield
    }) : () -> ()
    "tpu.region"() ({
      %run_scoped3A = tpu.sem_alloc : memref<!tpu.dma_semaphore, #tpu.memory_space<semaphore_mem>>
      %dma_start3A = arith.constant 0 : i32
      %dma_start3A_56 = tpu.memref_slice %arg3[%mul3A_2, %dma_start3A] : memref<64x1024xf32, #tpu.memory_space<hbm>> -> memref<2x1024xf32, #tpu.memory_space<hbm>>
      %dma_start3A_57 = arith.constant 0 : i32
      %dma_start3A_58 = tpu.memref_slice %arg3[%mul3A_2, %dma_start3A_57] : memref<64x1024xf32, #tpu.memory_space<hbm>> -> memref<2x1024xf32, #tpu.memory_space<hbm>>
      tpu.enqueue_dma source(%dma_start3A_58 : memref<2x1024xf32, #tpu.memory_space<hbm>>) target(%arg8 : memref<2x1024xf32, #tpu.memory_space<vmem>>) target_semaphore(%run_scoped3A : memref<!tpu.dma_semaphore, #tpu.memory_space<semaphore_mem>>)
      %dma_wait3A = arith.constant 0 : i32
      %dma_wait3A_59 = tpu.memref_slice %arg3[%mul3A_2, %dma_wait3A] : memref<64x1024xf32, #tpu.memory_space<hbm>> -> memref<2x1024xf32, #tpu.memory_space<hbm>>
      %dma_wait3A_60 = arith.constant 0 : i32
      %dma_wait3A_61 = tpu.memref_slice %arg3[%mul3A_2, %dma_wait3A_60] : memref<64x1024xf32, #tpu.memory_space<hbm>> -> memref<2x1024xf32, #tpu.memory_space<hbm>>
      tpu.wait_dma2 semaphore(%run_scoped3A : memref<!tpu.dma_semaphore, #tpu.memory_space<semaphore_mem>>) src(%dma_wait3A_61 : memref<2x1024xf32, #tpu.memory_space<hbm>>) dst(%arg8 : memref<2x1024xf32, #tpu.memory_space<vmem>>)
      tpu.yield
    }) : () -> ()
    "tpu.region"() ({
      %run_scoped3A = tpu.sem_alloc : memref<!tpu.dma_semaphore, #tpu.memory_space<semaphore_mem>>
      tpu.enqueue_dma source(%arg4 : memref<2048xf32, #tpu.memory_space<hbm>>) target(%arg9 : memref<2048xf32, #tpu.memory_space<vmem>>) target_semaphore(%run_scoped3A : memref<!tpu.dma_semaphore, #tpu.memory_space<semaphore_mem>>)
      tpu.wait_dma2 semaphore(%run_scoped3A : memref<!tpu.dma_semaphore, #tpu.memory_space<semaphore_mem>>) src(%arg4 : memref<2048xf32, #tpu.memory_space<hbm>>) dst(%arg9 : memref<2048xf32, #tpu.memory_space<vmem>>)
      tpu.yield
    }) : () -> ()
    "tpu.region"() ({
      %run_scoped3A = tpu.sem_alloc : memref<!tpu.dma_semaphore, #tpu.memory_space<semaphore_mem>>
      tpu.enqueue_dma source(%arg5 : memref<1024xf32, #tpu.memory_space<hbm>>) target(%arg10 : memref<1024xf32, #tpu.memory_space<vmem>>) target_semaphore(%run_scoped3A : memref<!tpu.dma_semaphore, #tpu.memory_space<semaphore_mem>>)
      tpu.wait_dma2 semaphore(%run_scoped3A : memref<!tpu.dma_semaphore, #tpu.memory_space<semaphore_mem>>) src(%arg5 : memref<1024xf32, #tpu.memory_space<hbm>>) dst(%arg10 : memref<1024xf32, #tpu.memory_space<vmem>>)
      tpu.yield
    }) : () -> ()
    %broadcast_in_dim3A = arith.constant 0.000000e+00 : f32
    %broadcast_in_dim3A_3 = vector.broadcast %broadcast_in_dim3A : f32 to vector<16xf32>
    %scan3A = arith.constant 0 : i32
    %scan3A_4 = arith.constant 0 : i32
    %scan3A_5 = arith.constant 128 : i32
    %scan3A_6 = arith.addi %scan3A_4, %scan3A_5 : i32
    %scan3A_7 = arith.constant 1 : i32
    %scan3A_8 = scf.for %scan3A_56 = %scan3A_4 to %scan3A_6 step %scan3A_7 iter_args(%scan3A_57 = %broadcast_in_dim3A_3) -> (vector<16xf32>)  : i32 {
      %mul3A_58 = arith.constant 16 : i32
      %mul3A_59 = arith.muli %scan3A_56, %mul3A_58 : i32
      %get3A = arith.constant 0 : i32
      %get3A_60 = tpu.memref_slice %arg7[%scan3A, %get3A] : memref<2x2048xf32, #tpu.memory_space<vmem>> -> memref<1x2048xf32, #tpu.memory_space<vmem>>
      %get3A_61 = tpu.memref_squeeze %get3A_60 : memref<1x2048xf32, #tpu.memory_space<vmem>> -> memref<2048xf32, #tpu.memory_space<vmem>>
      %get3A_62 = arith.index_cast %mul3A_59 : i32 to index
      %get3A_63 = tpu.vector_load %get3A_61[%get3A_62] {strides = array<i32>} : memref<2048xf32, #tpu.memory_space<vmem>>, vector<16xf32>,
      %get3A_64 = vector.shape_cast %get3A_63 : vector<16xf32> to vector<16xf32>
      %get3A_65 = arith.index_cast %mul3A_59 : i32 to index
      %get3A_66 = tpu.vector_load %arg9[%get3A_65] {strides = array<i32>} : memref<2048xf32, #tpu.memory_space<vmem>>, vector<16xf32>,
      %get3A_67 = vector.shape_cast %get3A_66 : vector<16xf32> to vector<16xf32>
      %mul3A_68 = arith.mulf %get3A_64, %get3A_67 : vector<16xf32>
      %add3A_69 = arith.addf %scan3A_57, %mul3A_68 : vector<16xf32>
      scf.yield %add3A_69 : vector<16xf32>
    }
    %scan3A_9 = arith.constant 128 : i32
    %broadcast_in_dim3A_10 = arith.constant 0.000000e+00 : f32
    %broadcast_in_dim3A_11 = vector.broadcast %broadcast_in_dim3A_10 : f32 to vector<16xf32>
    %scan3A_12 = arith.constant 0 : i32
    %scan3A_13 = arith.constant 0 : i32
    %scan3A_14 = arith.constant 64 : i32
    %scan3A_15 = arith.addi %scan3A_13, %scan3A_14 : i32
    %scan3A_16 = arith.constant 1 : i32
    %scan3A_17 = scf.for %scan3A_56 = %scan3A_13 to %scan3A_15 step %scan3A_16 iter_args(%scan3A_57 = %broadcast_in_dim3A_11) -> (vector<16xf32>)  : i32 {
      %mul3A_58 = arith.constant 16 : i32
      %mul3A_59 = arith.muli %scan3A_56, %mul3A_58 : i32
      %get3A = arith.constant 0 : i32
      %get3A_60 = tpu.memref_slice %arg8[%scan3A_12, %get3A] : memref<2x1024xf32, #tpu.memory_space<vmem>> -> memref<1x1024xf32, #tpu.memory_space<vmem>>
      %get3A_61 = tpu.memref_squeeze %get3A_60 : memref<1x1024xf32, #tpu.memory_space<vmem>> -> memref<1024xf32, #tpu.memory_space<vmem>>
      %get3A_62 = arith.index_cast %mul3A_59 : i32 to index
      %get3A_63 = tpu.vector_load %get3A_61[%get3A_62] {strides = array<i32>} : memref<1024xf32, #tpu.memory_space<vmem>>, vector<16xf32>,
      %get3A_64 = vector.shape_cast %get3A_63 : vector<16xf32> to vector<16xf32>
      %get3A_65 = arith.index_cast %mul3A_59 : i32 to index
      %get3A_66 = tpu.vector_load %arg10[%get3A_65] {strides = array<i32>} : memref<1024xf32, #tpu.memory_space<vmem>>, vector<16xf32>,
      %get3A_67 = vector.shape_cast %get3A_66 : vector<16xf32> to vector<16xf32>
      %mul3A_68 = arith.mulf %get3A_64, %get3A_67 : vector<16xf32>
      %add3A_69 = arith.addf %scan3A_57, %mul3A_68 : vector<16xf32>
      scf.yield %add3A_69 : vector<16xf32>
    }
    %scan3A_18 = arith.constant 64 : i32
    %mul3A_19 = arith.constant 5.000000e-01 : f32
    %mul3A_20 = vector.broadcast %mul3A_19 : f32 to vector<16xf32>
    %mul3A_21 = arith.mulf %mul3A_20, %scan3A_17 : vector<16xf32>
    %add3A_22 = arith.addf %scan3A_8, %mul3A_21 : vector<16xf32>
    %swap3A = arith.constant 0 : i32
    %swap3A_23 = arith.index_cast %swap3A : i32 to index
    %swap3A_24 = arith.constant 0 : index
    %swap3A_25 = tpu.vector_load %arg11[%swap3A_23, %swap3A_24] {strides = array<i32>} : memref<2x16xf32, #tpu.memory_space<vmem>>, vector<1x16xf32>,
    %swap3A_26 = vector.shape_cast %swap3A_25 : vector<1x16xf32> to vector<16xf32>
    %swap3A_27 = vector.shape_cast %add3A_22 : vector<16xf32> to vector<1x16xf32>
    tpu.vector_store %arg11[%swap3A_23, %swap3A_24], %swap3A_27 {strides = array<i32>} : memref<2x16xf32, #tpu.memory_space<vmem>>, vector<1x16xf32>,
    %broadcast_in_dim3A_28 = arith.constant 0.000000e+00 : f32
    %broadcast_in_dim3A_29 = vector.broadcast %broadcast_in_dim3A_28 : f32 to vector<16xf32>
    %scan3A_30 = arith.constant 1 : i32
    %scan3A_31 = arith.constant 0 : i32
    %scan3A_32 = arith.constant 128 : i32
    %scan3A_33 = arith.addi %scan3A_31, %scan3A_32 : i32
    %scan3A_34 = arith.constant 1 : i32
    %scan3A_35 = scf.for %scan3A_56 = %scan3A_31 to %scan3A_33 step %scan3A_34 iter_args(%scan3A_57 = %broadcast_in_dim3A_29) -> (vector<16xf32>)  : i32 {
      %mul3A_58 = arith.constant 16 : i32
      %mul3A_59 = arith.muli %scan3A_56, %mul3A_58 : i32
      %get3A = arith.constant 0 : i32
      %get3A_60 = tpu.memref_slice %arg7[%scan3A_30, %get3A] : memref<2x2048xf32, #tpu.memory_space<vmem>> -> memref<1x2048xf32, #tpu.memory_space<vmem>>
      %get3A_61 = tpu.memref_squeeze %get3A_60 : memref<1x2048xf32, #tpu.memory_space<vmem>> -> memref<2048xf32, #tpu.memory_space<vmem>>
      %get3A_62 = arith.index_cast %mul3A_59 : i32 to index
      %get3A_63 = tpu.vector_load %get3A_61[%get3A_62] {strides = array<i32>} : memref<2048xf32, #tpu.memory_space<vmem>>, vector<16xf32>,
      %get3A_64 = vector.shape_cast %get3A_63 : vector<16xf32> to vector<16xf32>
      %get3A_65 = arith.index_cast %mul3A_59 : i32 to index
      %get3A_66 = tpu.vector_load %arg9[%get3A_65] {strides = array<i32>} : memref<2048xf32, #tpu.memory_space<vmem>>, vector<16xf32>,
      %get3A_67 = vector.shape_cast %get3A_66 : vector<16xf32> to vector<16xf32>
      %mul3A_68 = arith.mulf %get3A_64, %get3A_67 : vector<16xf32>
      %add3A_69 = arith.addf %scan3A_57, %mul3A_68 : vector<16xf32>
      scf.yield %add3A_69 : vector<16xf32>
    }
    %scan3A_36 = arith.constant 128 : i32
    %broadcast_in_dim3A_37 = arith.constant 0.000000e+00 : f32
    %broadcast_in_dim3A_38 = vector.broadcast %broadcast_in_dim3A_37 : f32 to vector<16xf32>
    %scan3A_39 = arith.constant 1 : i32
    %scan3A_40 = arith.constant 0 : i32
    %scan3A_41 = arith.constant 64 : i32
    %scan3A_42 = arith.addi %scan3A_40, %scan3A_41 : i32
    %scan3A_43 = arith.constant 1 : i32
    %scan3A_44 = scf.for %scan3A_56 = %scan3A_40 to %scan3A_42 step %scan3A_43 iter_args(%scan3A_57 = %broadcast_in_dim3A_38) -> (vector<16xf32>)  : i32 {
      %mul3A_58 = arith.constant 16 : i32
      %mul3A_59 = arith.muli %scan3A_56, %mul3A_58 : i32
      %get3A = arith.constant 0 : i32
      %get3A_60 = tpu.memref_slice %arg8[%scan3A_39, %get3A] : memref<2x1024xf32, #tpu.memory_space<vmem>> -> memref<1x1024xf32, #tpu.memory_space<vmem>>
      %get3A_61 = tpu.memref_squeeze %get3A_60 : memref<1x1024xf32, #tpu.memory_space<vmem>> -> memref<1024xf32, #tpu.memory_space<vmem>>
      %get3A_62 = arith.index_cast %mul3A_59 : i32 to index
      %get3A_63 = tpu.vector_load %get3A_61[%get3A_62] {strides = array<i32>} : memref<1024xf32, #tpu.memory_space<vmem>>, vector<16xf32>,
      %get3A_64 = vector.shape_cast %get3A_63 : vector<16xf32> to vector<16xf32>
      %get3A_65 = arith.index_cast %mul3A_59 : i32 to index
      %get3A_66 = tpu.vector_load %arg10[%get3A_65] {strides = array<i32>} : memref<1024xf32, #tpu.memory_space<vmem>>, vector<16xf32>,
      %get3A_67 = vector.shape_cast %get3A_66 : vector<16xf32> to vector<16xf32>
      %mul3A_68 = arith.mulf %get3A_64, %get3A_67 : vector<16xf32>
      %add3A_69 = arith.addf %scan3A_57, %mul3A_68 : vector<16xf32>
      scf.yield %add3A_69 : vector<16xf32>
    }
    %scan3A_45 = arith.constant 64 : i32
    %mul3A_46 = arith.constant 5.000000e-01 : f32
    %mul3A_47 = vector.broadcast %mul3A_46 : f32 to vector<16xf32>
    %mul3A_48 = arith.mulf %mul3A_47, %scan3A_44 : vector<16xf32>
    %add3A_49 = arith.addf %scan3A_35, %mul3A_48 : vector<16xf32>
    %swap3A_50 = arith.constant 1 : i32
    %swap3A_51 = arith.index_cast %swap3A_50 : i32 to index
    %swap3A_52 = arith.constant 0 : index
    %swap3A_53 = tpu.vector_load %arg11[%swap3A_51, %swap3A_52] {strides = array<i32>} : memref<2x16xf32, #tpu.memory_space<vmem>>, vector<1x16xf32>,
    %swap3A_54 = vector.shape_cast %swap3A_53 : vector<1x16xf32> to vector<16xf32>
    %swap3A_55 = vector.shape_cast %add3A_49 : vector<16xf32> to vector<1x16xf32>
    tpu.vector_store %arg11[%swap3A_51, %swap3A_52], %swap3A_55 {strides = array<i32>} : memref<2x16xf32, #tpu.memory_space<vmem>>, vector<1x16xf32>,
    "tpu.region"() ({
      %run_scoped3A = tpu.sem_alloc : memref<!tpu.dma_semaphore, #tpu.memory_space<semaphore_mem>>
      %dma_start3A = arith.constant 0 : i32
      %dma_start3A_56 = tpu.memref_slice %arg6[%mul3A_2, %dma_start3A] : memref<64x16xf32, #tpu.memory_space<hbm>> -> memref<2x16xf32, #tpu.memory_space<hbm>>
      %dma_start3A_57 = arith.constant 0 : i32
      %dma_start3A_58 = tpu.memref_slice %arg6[%mul3A_2, %dma_start3A_57] : memref<64x16xf32, #tpu.memory_space<hbm>> -> memref<2x16xf32, #tpu.memory_space<hbm>>
      tpu.enqueue_dma source(%arg11 : memref<2x16xf32, #tpu.memory_space<vmem>>) target(%dma_start3A_58 : memref<2x16xf32, #tpu.memory_space<hbm>>) target_semaphore(%run_scoped3A : memref<!tpu.dma_semaphore, #tpu.memory_space<semaphore_mem>>)
      %dma_wait3A = arith.constant 0 : i32
      %dma_wait3A_59 = tpu.memref_slice %arg6[%mul3A_2, %dma_wait3A] : memref<64x16xf32, #tpu.memory_space<hbm>> -> memref<2x16xf32, #tpu.memory_space<hbm>>
      %dma_wait3A_60 = arith.constant 0 : i32
      %dma_wait3A_61 = tpu.memref_slice %arg6[%mul3A_2, %dma_wait3A_60] : memref<64x16xf32, #tpu.memory_space<hbm>> -> memref<2x16xf32, #tpu.memory_space<hbm>>
      tpu.wait_dma2 semaphore(%run_scoped3A : memref<!tpu.dma_semaphore, #tpu.memory_space<semaphore_mem>>) src(%arg11 : memref<2x16xf32, #tpu.memory_space<vmem>>) dst(%dma_wait3A_61 : memref<2x16xf32, #tpu.memory_space<hbm>>)
      tpu.yield
    }) : () -> ()
    return
  }
}

module attributes {stable_mosaic.version = 14 : i64} {
  func.func @_fused_kernel(%arg0: i32, %arg1: memref<512x2048xf32, #tpu.memory_space<vmem>>, %arg2: memref<64x16xf32, #tpu.memory_space<vmem>>, %arg3: memref<2048x64xf32, #tpu.memory_space<vmem>>, %arg4: memref<64x2048xf32, #tpu.memory_space<vmem>>, %arg5: memref<2048x2048xf32, #tpu.memory_space<vmem>>, %arg6: memref<1x2048xf32, #tpu.memory_space<vmem>>, %arg7: memref<512x2048xf32, #tpu.memory_space<vmem>>, %arg8: memref<2048x2048xbf16, #tpu.memory_space<vmem>>) attributes {dimension_semantics = [#tpu.dimension_semantics<arbitrary>], iteration_bounds = array<i64: 16>, scalar_prefetch = 0 : i64, scratch_operands = 1 : i64, tpu.core_type = #tpu.core_type<tc>, window_params = [{transform_indices = @transform_0, window_bounds = array<i64: 512, 2048>}, {pipeline_mode = #tpu.pipeline_mode<synchronous>, transform_indices = @transform_1, window_bounds = array<i64: 64, 16>}, {pipeline_mode = #tpu.pipeline_mode<synchronous>, transform_indices = @transform_2, window_bounds = array<i64: 2048, 64>}, {pipeline_mode = #tpu.pipeline_mode<synchronous>, transform_indices = @transform_3, window_bounds = array<i64: 64, 2048>}, {pipeline_mode = #tpu.pipeline_mode<synchronous>, transform_indices = @transform_4, window_bounds = array<i64: 2048, 2048>}, {pipeline_mode = #tpu.pipeline_mode<synchronous>, transform_indices = @transform_5, window_bounds = array<i64: 1, 2048>}, {transform_indices = @transform_6, window_bounds = array<i64: 512, 2048>}]} {
    %eq3A = arith.constant 0 : i32
    %eq3A_0 = arith.cmpi eq, %arg0, %eq3A : i32
    %convert_element_type3A = arith.extui %eq3A_0 : i1 to i32
    %cond3A = arith.constant 0 : i32
    %cond3A_1 = arith.cmpi ne, %convert_element_type3A, %cond3A : i32
    scf.if %cond3A_1 {
      %get3A_14 = arith.constant 0 : index
      %get3A_15 = arith.constant 0 : index
      %get3A_16 = vector.load %arg2[%get3A_14, %get3A_15] : memref<64x16xf32, #tpu.memory_space<vmem>>, vector<64x16xf32>
      %reduce_sum3A = arith.constant dense<0.000000e+00> : vector<64xf32>
      %reduce_sum3A_17 = vector.multi_reduction <add>, %get3A_16, %reduce_sum3A [1] : vector<64x16xf32> to vector<64xf32>
      %reshape3A = vector.shape_cast %reduce_sum3A_17 : vector<64xf32> to vector<1x64xf32>
      %reshape3A_18 = vector.shape_cast %reduce_sum3A_17 : vector<64xf32> to vector<64x1xf32>
      %iota3A = tpu.iota {dimensions = array<i32: 1>} : vector<64x64xi32>
      %iota3A_19 = tpu.iota {dimensions = array<i32: 0>} : vector<64x64xi32>
      %gt3A = vector.broadcast %reshape3A : vector<1x64xf32> to vector<64x64xf32>
      %gt3A_20 = vector.broadcast %reshape3A_18 : vector<64x1xf32> to vector<64x64xf32>
      %gt3A_21 = arith.cmpf ogt, %gt3A, %gt3A_20 : vector<64x64xf32>
      %eq3A_22 = vector.broadcast %reshape3A : vector<1x64xf32> to vector<64x64xf32>
      %eq3A_23 = vector.broadcast %reshape3A_18 : vector<64x1xf32> to vector<64x64xf32>
      %eq3A_24 = arith.cmpf oeq, %eq3A_22, %eq3A_23 : vector<64x64xf32>
      %lt3A = arith.cmpi slt, %iota3A, %iota3A_19 : vector<64x64xi32>
      %and3A = arith.andi %eq3A_24, %lt3A : vector<64x64xi1>
      %or3A = arith.ori %gt3A_21, %and3A : vector<64x64xi1>
      %convert_element_type3A_25 = arith.extui %or3A : vector<64x64xi1> to vector<64x64xi32>
      %reduce_sum3A_26 = arith.constant dense<0> : vector<64xi32>
      %reduce_sum3A_27 = vector.multi_reduction <add>, %convert_element_type3A_25, %reduce_sum3A_26 [1] : vector<64x64xi32> to vector<64xi32>
      %broadcast_in_dim3A = vector.shape_cast %reduce_sum3A_27 : vector<64xi32> to vector<64x1xi32>
      %lt3A_28 = arith.constant 8 : i32
      %lt3A_29 = vector.broadcast %lt3A_28 : i32 to vector<64x1xi32>
      %lt3A_30 = arith.cmpi slt, %broadcast_in_dim3A, %lt3A_29 : vector<64x1xi32>
      %convert_element_type3A_31 = arith.extui %lt3A_30 : vector<64x1xi1> to vector<64x1xi32>
      %convert_element_type3A_32 = arith.sitofp %convert_element_type3A_31 : vector<64x1xi32> to vector<64x1xf32>
      %get3A_33 = arith.constant 0 : index
      %get3A_34 = arith.constant 0 : index
      %get3A_35 = vector.load %arg3[%get3A_33, %get3A_34] : memref<2048x64xf32, #tpu.memory_space<vmem>>, vector<2048x64xf32>
      %reshape3A_36 = vector.shape_cast %convert_element_type3A_32 : vector<64x1xf32> to vector<1x64xf32>
      %mul3A = arith.constant 2.000000e+00 : f32
      %mul3A_37 = vector.broadcast %mul3A : f32 to vector<1x64xf32>
      %mul3A_38 = arith.mulf %reshape3A_36, %mul3A_37 : vector<1x64xf32>
      %mul3A_39 = vector.broadcast %mul3A_38 : vector<1x64xf32> to vector<2048x64xf32>
      %mul3A_40 = arith.mulf %get3A_35, %mul3A_39 : vector<2048x64xf32>
      %get3A_41 = arith.constant 0 : index
      %get3A_42 = arith.constant 0 : index
      %get3A_43 = vector.load %arg4[%get3A_41, %get3A_42] : memref<64x2048xf32, #tpu.memory_space<vmem>>, vector<64x2048xf32>
      %dot_general3A_44 = arith.constant dense<0.000000e+00> : vector<2048x2048xf32>
      %dot_general3A_45 = tpu.matmul %get3A_43, %mul3A_40, %dot_general3A_44 {dimension_numbers = #tpu.dot_dimension_numbers<[0], [1], [1], [0], [0, 1, 1, 0], [], []>, transpose_lhs_hint = false} : vector<64x2048xf32>, vector<2048x64xf32>, vector<2048x2048xf32> -> vector<2048x2048xf32>
      %get3A_46 = arith.constant 0 : index
      %get3A_47 = arith.constant 0 : index
      %get3A_48 = vector.load %arg5[%get3A_46, %get3A_47] : memref<2048x2048xf32, #tpu.memory_space<vmem>>, vector<2048x2048xf32>
      %add3A_49 = arith.addf %get3A_48, %dot_general3A_45 : vector<2048x2048xf32>
      %convert_element_type3A_50 = arith.truncf %add3A_49 : vector<2048x2048xf32> to vector<2048x2048xbf16>
      %swap3A_51 = arith.constant 0 : index
      %swap3A_52 = arith.constant 0 : index
      %swap3A_53 = vector.load %arg8[%swap3A_51, %swap3A_52] : memref<2048x2048xbf16, #tpu.memory_space<vmem>>, vector<2048x2048xbf16>
      tpu.vector_store %arg8[%swap3A_51, %swap3A_52], %convert_element_type3A_50 {strides = array<i32>} : memref<2048x2048xbf16, #tpu.memory_space<vmem>>, vector<2048x2048xbf16>,
    } else {
    }
    %get3A = arith.constant 0 : index
    %get3A_2 = arith.constant 0 : index
    %get3A_3 = vector.load %arg1[%get3A, %get3A_2] : memref<512x2048xf32, #tpu.memory_space<vmem>>, vector<512x2048xf32>
    %get3A_4 = arith.constant 0 : index
    %get3A_5 = arith.constant 0 : index
    %get3A_6 = vector.load %arg8[%get3A_4, %get3A_5] : memref<2048x2048xbf16, #tpu.memory_space<vmem>>, vector<2048x2048xbf16>
    %dot_general3A = arith.constant dense<0.000000e+00> : vector<512x2048xf32>
    %dot_general3A_7 = tpu.matmul %get3A_3, %get3A_6, %dot_general3A {dimension_numbers = #tpu.dot_dimension_numbers<[1], [1], [0], [0], [0, 0, 1, 0], [], []>, transpose_lhs_hint = false} : vector<512x2048xf32>, vector<2048x2048xbf16>, vector<512x2048xf32> -> vector<512x2048xf32>
    %get3A_8 = arith.constant 0 : index
    %get3A_9 = arith.constant 0 : index
    %get3A_10 = vector.load %arg6[%get3A_8, %get3A_9] : memref<1x2048xf32, #tpu.memory_space<vmem>>, vector<1x2048xf32>
    %add3A = vector.broadcast %get3A_10 : vector<1x2048xf32> to vector<512x2048xf32>
    %add3A_11 = arith.addf %dot_general3A_7, %add3A : vector<512x2048xf32>
    %swap3A = arith.constant 0 : index
    %swap3A_12 = arith.constant 0 : index
    %swap3A_13 = vector.load %arg7[%swap3A, %swap3A_12] : memref<512x2048xf32, #tpu.memory_space<vmem>>, vector<512x2048xf32>
    tpu.vector_store %arg7[%swap3A, %swap3A_12], %add3A_11 {strides = array<i32>} : memref<512x2048xf32, #tpu.memory_space<vmem>>, vector<512x2048xf32>,
    return
  }
  func.func @transform_0(%arg0: i32) -> (i32, i32) {
    %c0_i32 = arith.constant 0 : i32
    %c0_i32_0 = arith.constant 0 : i32
    return %arg0, %c0_i32 : i32, i32
  }
  func.func @transform_1(%arg0: i32) -> (i32, i32) {
    %c0_i32 = arith.constant 0 : i32
    %c0_i32_0 = arith.constant 0 : i32
    %c0_i32_1 = arith.constant 0 : i32
    return %c0_i32, %c0_i32_0 : i32, i32
  }
  func.func @transform_2(%arg0: i32) -> (i32, i32) {
    %c0_i32 = arith.constant 0 : i32
    %c0_i32_0 = arith.constant 0 : i32
    %c0_i32_1 = arith.constant 0 : i32
    return %c0_i32, %c0_i32_0 : i32, i32
  }
  func.func @transform_3(%arg0: i32) -> (i32, i32) {
    %c0_i32 = arith.constant 0 : i32
    %c0_i32_0 = arith.constant 0 : i32
    %c0_i32_1 = arith.constant 0 : i32
    return %c0_i32, %c0_i32_0 : i32, i32
  }
  func.func @transform_4(%arg0: i32) -> (i32, i32) {
    %c0_i32 = arith.constant 0 : i32
    %c0_i32_0 = arith.constant 0 : i32
    %c0_i32_1 = arith.constant 0 : i32
    return %c0_i32, %c0_i32_0 : i32, i32
  }
  func.func @transform_5(%arg0: i32) -> (i32, i32) {
    %c0_i32 = arith.constant 0 : i32
    %c0_i32_0 = arith.constant 0 : i32
    %c0_i32_1 = arith.constant 0 : i32
    return %c0_i32, %c0_i32_0 : i32, i32
  }
  func.func @transform_6(%arg0: i32) -> (i32, i32) {
    %c0_i32 = arith.constant 0 : i32
    %c0_i32_0 = arith.constant 0 : i32
    return %arg0, %c0_i32 : i32, i32
  }
}

</mosaic_0001>

<sc_bundles>
// kernel: kernel.4.cloned.1.call-start
scs
__scs_entry_jumppad:
0x0: {  	(pc) =	sbr.rel $0x88, $3  }
0x1: {  	(tag) =	ssettag $0x0;
	lr =	simm.s32 $0x1  }
0x2: {  	[smem:$0x3F98] =	sst lr;
	_ =	strace $0xD0000000  }
0x3: {  	_ = 	snop  }
0x4: {  	_ = 	snop  }
0x5: {  	_ = 	snop  }
0x6: {  	_ = 	snop  }
0x7: {  	_ = 	snop  }
__scs_overlays_trampoline_lowered:
0x8: {  	[smem:$0x3FA7] =	sst s0  }
0x9: {  	[smem:$0x3FA8] =	sst s1  }
0xa: {  	[smem:$0x3FA9] =	sst s2  }
0xb: {  	[smem:$0x3FAA] =	sst s3  }
0xc: {  	[smem:$0x3FAB] =	sst s4  }
0xd: {  	[smem:$0x3FAC] =	sst s5  }
0xe: {  	[smem:$0x3FAD] =	sst s6  }
0xf: {  	[smem:$0x3FAE] =	sst s7  }
0x10: {  	[smem:$0x3FAF] =	sst s8  }
0x11: {  	[smem:$0x3FB0] =	sst s9;
	s0 =	simm.s32 @!p0 $0x0  }
0x12: {  	s1 =	sld [smem:$0x3F96];
	s0 =	simm.s32 @p0 $0x1  }
0x13: {  	[smem:$0x3FB1] =	sst s0;
	s0 =	simm.s32 @!p1 $0x0  }
0x14: {  	s2 =	sld [smem:$0x3F95];
	s0 =	simm.s32 @p1 $0x1  }
0x15: {  	[smem:$0x3FB2] =	sst s0;
	s0 =	simm.s32 @!p2 $0x0  }
0x16: {  	s3 =	sld [smem:$0x3FDB];
	s0 =	simm.s32 @p2 $0x1  }
0x17: {  	s4 =	simm.s32 $0x1BF5;
	[smem:$0x3FB4] =	sst s0  }
0x18: {  	s0 =	sld [smem:$0x3F97];
	_ =	swait.ge [sflag:s4], $0x0  }
0x19: {  	s7 =	sld [smem:$0x3F98]  }
0x1a: {  	s8 =	sadd.s32 $0xFFFFE003, lr  }
0x1b: {  	s9 =	sadd.s32 $0xFFFFFEF7, lr;
	s5 =	simm.s32 $0xFFFFFFFF;
	p2 =	slt.u32 s8, $0xFFFFF086  }
0x1c: {  	p1 =	slt.u32 s9, $0xF7A;
	s5 =	simm.s32 @!p2 $0x0  }
0x1d: {  	s5 =	simm.s32 @p1 $0x1;
	p0 =	seq.s32 s7, s2  }
0x1e: {  	s7 =	smul.u32 @!p0 $0xF7A, s2;
	p2 =	seq.s32 @!p0 s5, $0x0  }
0x1f: {  	s9 =	smul.u32 $0xF7A, s1;
	s8 =	simm.s32 @!p0 $0x1BF5;
	p2 =	por !p2, p0  }
0x20: {  	[sflag:s8] =	ssyncset.s32 @!p0 $0xFFFFF086;
	s6 =	sadd.s32 @!p0 s3, s7;
	s7 =	simm.s32 @!p0 $0x108  }
0x21: {  	s3 =	sadd.s32 s3, s9;
	s6 =	sadd.s32 @!p0 $0x88, s6;
	s7 =	simm.s32 @p2 $0x1082  }
0x22: {  	[simem:s7], [sflag:s8] =	dma.local @!p0 [hbm:s6], $0xF7A  }
0x23: {  	s9 =	sor.u32 $0xD0000000, s2;
	s6 =	simm.s32 $0x108;
	_ =	swait.ge @!p0 [sflag:s8], $0x0  }
0x24: {  	s3 =	sadd.s32 $0x88, s3;
	s6 =	simm.s32 @!p1 $0x1082;
	[sflag:s4] =	ssyncset.s32 $0xFFFFF086  }
0x25: {  	[simem:s6], [sflag:s4] =	dma.local [hbm:s3], $0xF7A  }
0x26: {  	[smem:$0x3F98] =	sst s1;
	(tag) =	ssettag s2;
	_ =	strace s9  }
0x27: {  	s1 =	sld [smem:$0x3FA8]  }
0x28: {  	s2 =	sld [smem:$0x3FA9]  }
0x29: {  	s4 =	sld [smem:$0x3FAB]  }
0x2a: {  	p0 =	seq.s32 s5, $0x0;
	s5 =	sld [smem:$0x3FAC]  }
0x2b: {  	s6 =	sld [smem:$0x3FAD]  }
0x2c: {  	s7 =	sld [smem:$0x3FAE]  }
0x2d: {  	s3 =	simm.s32 $0x108;
	s8 =	sld [smem:$0x3FAF]  }
0x2e: {  	s3 =	simm.s32 @!p0 $0x1082;
	s9 =	sld [smem:$0x3FB0]  }
0x2f: {  	lr =	sadd.s32 s0, s3;
	s0 =	sld [smem:$0x3FA7]  }
0x30: {  	s3 =	sld [smem:$0x3FAA]  }
0x31: {  	[smem:$0x3FB3] =	sst s10  }
0x32: {  	s10 =	sld [smem:$0x3FB1];
	_ =	sdelay $0x3  }
0x33: {  	p0 =	seq.s32 s10, $0x1;
	s10 =	sld [smem:$0x3FB3];
	_ =	sdelay $0x3  }
0x34: {  	[smem:$0x3FB3] =	sst s10  }
0x35: {  	s10 =	sld [smem:$0x3FB2];
	_ =	sdelay $0x3  }
0x36: {  	p1 =	seq.s32 s10, $0x1;
	s10 =	sld [smem:$0x3FB3];
	_ =	sdelay $0x3  }
0x37: {  	[smem:$0x3FB3] =	sst s10  }
0x38: {  	s10 =	sld [smem:$0x3FB4]  }
0x39: {  	_ = 	snop;
	(pc) =	sbr.ind lr, $3  }
0x3a: {  	_ = 	snop  }
0x3b: {  	_ = 	snop  }
0x3c: {  	p2 =	seq.s32 s10, $0x1;
	s10 =	sld [smem:$0x3FB3]  }
0x3d: {  	_ =	shalt  }
0x3e: {  	_ =	shalt  }
0x3f: {  	_ =	shalt  }
0x40: {  	_ =	shalt  }
0x41: {  	_ =	shalt  }
0x42: {  	_ =	shalt  }
0x43: {  	_ =	shalt  }
0x44: {  	_ =	shalt  }
0x45: {  	_ =	shalt  }
0x46: {  	_ =	shalt  }
0x47: {  	_ =	shalt  }
0x48: {  	_ =	shalt  }
0x49: {  	_ =	shalt  }
0x4a: {  	_ =	shalt  }
0x4b: {  	_ =	shalt  }
0x4c: {  	_ =	shalt  }
0x4d: {  	_ =	shalt  }
0x4e: {  	_ =	shalt  }
0x4f: {  	_ =	shalt  }
0x50: {  	_ =	shalt  }
0x51: {  	_ =	shalt  }
0x52: {  	_ =	shalt  }
0x53: {  	_ =	shalt  }
0x54: {  	_ =	shalt  }
0x55: {  	_ =	shalt  }
0x56: {  	_ =	shalt  }
0x57: {  	_ =	shalt  }
0x58: {  	_ =	shalt  }
0x59: {  	_ =	shalt  }
0x5a: {  	_ =	shalt  }
0x5b: {  	_ =	shalt  }
0x5c: {  	_ =	shalt  }
0x5d: {  	_ =	shalt  }
0x5e: {  	_ =	shalt  }
0x5f: {  	_ =	shalt  }
0x60: {  	_ =	shalt  }
0x61: {  	_ =	shalt  }
0x62: {  	_ =	shalt  }
0x63: {  	_ =	shalt  }
0x64: {  	_ =	shalt  }
0x65: {  	_ =	shalt  }
0x66: {  	_ =	shalt  }
0x67: {  	_ =	shalt  }
0x68: {  	_ =	shalt  }
0x69: {  	_ =	shalt  }
0x6a: {  	_ =	shalt  }
0x6b: {  	_ =	shalt  }
0x6c: {  	_ =	shalt  }
0x6d: {  	_ =	shalt  }
0x6e: {  	_ =	shalt  }
0x6f: {  	_ =	shalt  }
0x70: {  	_ =	shalt  }
0x71: {  	_ =	shalt  }
0x72: {  	_ =	shalt  }
0x73: {  	_ =	shalt  }
0x74: {  	_ =	shalt  }
0x75: {  	_ =	shalt  }
0x76: {  	_ =	shalt  }
0x77: {  	_ =	shalt  }
0x78: {  	_ =	shalt  }
0x79: {  	_ =	shalt  }
0x7a: {  	_ =	shalt  }
0x7b: {  	_ =	shalt  }
0x7c: {  	_ =	shalt  }
0x7d: {  	_ =	shalt  }
0x7e: {  	_ =	shalt  }
0x7f: {  	_ =	shalt  }
0x80: {  	_ =	shalt  }
0x81: {  	_ =	shalt  }
0x82: {  	_ =	shalt  }
0x83: {  	_ =	shalt  }
0x84: {  	_ =	shalt  }
0x85: {  	_ =	shalt  }
0x86: {  	_ =	shalt  }
0x87: {  	_ =	shalt  }
.Lfunc_end0:
.L_simem_size_0:
called_computation_lowered:
.L_overlay_start_0:
0x88: {  	s2 =	sld [smem:$0x3FD9]  }
0x89: {  	s3 =	sld [smem:$0x3FFE];
	_ =	sdelay $0x1  }
0x8a: {  	s1 =	srdreg.scid  }
0x8b: {  	s0 =	sand.u32 $0x1, s1  }
0x8c: {  	s18 =	sshll.u32 s0, $0xA;
	s2 =	sadd.s32 s3, s2  }
0x8d: {  	s2 =	sadd.s32 s2, s18  }
0x8e: {  	[smem:$0x3FBF] =	sst s2  }
0x8f: {  	_ = 	snop  }
0x90: {  	s2 =	sld [smem:$0x3FC8]  }
0x91: {  	s19 =	sld [smem:$0x3FC7]  }
0x92: {  	s4 =	sld [smem:$0x3FC6]  }
0x93: {  	s5 =	sld [smem:$0x3FC5]  }
0x94: {  	s6 =	sld [smem:$0x3FD0];
	(tm) =	ssettm $0x1  }
0x95: {  	s7 =	sld [smem:$0x3FFB];
	_ =	sdelay $0x3  }
0x96: {  	_ =	strace s7  }
0x97: {  	s7 =	sld [smem:$0x3FFC];
	_ =	sdelay $0x3  }
0x98: {  	_ =	strace s7  }
0x99: {  	s7 =	sld [smem:$0x3FFD];
	_ =	sdelay $0x3  }
0x9a: {  	_ =	strace s7  }
0x9b: {  	_ =	strace $0x8FFFFFFF  }
0x9c: {  	s20 =	sld [smem:$0x3FDB];
	_ =	sdelay $0x1  }
0x9d: {  	s8 =	simm.s32 $_scs_section_size  }
0x9e: {  	s9 =	simm.s32 $_size__tile_overlayer_lowered;
	s10 =	simm.s32 $_tile_overlayer_lowered  }
0x9f: {  	s23 =	simm.s32 $0x1BFF;
	s22 =	sshll.u32 s10, $0x1;
	s7 =	sadd.s32 s8, s20  }
0xa0: {  	s11 =	simm.s32 $0x0;
	s21 =	sshll.u32 s9, $0x1;
	s9 =	sadd.s32 s22, s7  }
0xa1: {  	[timem:s11], [sflag:s23] =	dma.local [hbm:s9], s21  }
0xa2: {  	_ =	swait.ge [sflag:s23], s21  }
0xa3: {  	s8 =	ssub.s32 $0x0, s21;
	[sflag:s23] =	ssyncset.done $0x0  }
0xa4: {  	[sflag:s23] =	ssyncadd.s32 s8;
	_ =	sdelay $0x1  }
0xa5: {  	s24 =	simm.s32 $0x1B8B  }
0xa6: {  	_ =	swait.ge [sflag:s24], $0x1  }
0xa7: {  	[sflag:s24] =	ssyncset.done $0x0  }
0xa8: {  	s25 =	simm.s32 $0x1B8E;
	[sflag:s24] =	ssyncadd.s32 $0xFFFFFFFF  }
0xa9: {  	s26 =	simm.s32 $execute0_lowered;
	[smem:$0x3FD2] =	sst s25  }
0xaa: {  	s8 =	sshll.u32 s26, $0x1;
	_ =	strace $0x80000046;
	[dreg:$0x1] =	wrdreg $0xFFFFFFFF  }
0xab: {  	s28 =	simm.s32 $_size_execute0_lowered;
	s7 =	sadd.s32 s7, s8;
	[dreg:$0x0] =	wrdreg $0x0  }
0xac: {  	s8 =	sshll.u32 s28, $0x1;
	[dreg:$0x2] =	wrdreg s7  }
0xad: {  	[dreg:$0x3] =	wrdreg s8  }
0xae: {  	[dreg:$0x4] =	wrdreg $0xC0  }
0xaf: {  	_ =	task [dreg:s11], $0x5FFFF  }
0xb0: {  	[dreg:$0x1] =	wrdreg $0xFFFFFFFF  }
0xb1: {  	[dreg:$0x0] =	wrdreg $0x60  }
0xb2: {  	[dreg:$0x2] =	wrdreg s4  }
0xb3: {  	[dreg:$0x3] =	wrdreg s5  }
0xb4: {  	[dreg:$0x4] =	wrdreg s2  }
0xb5: {  	[dreg:$0x5] =	wrdreg s19  }
0xb6: {  	[dreg:$0x6] =	wrdreg s6  }
0xb7: {  	[dreg:$0x7] =	wrdreg $0x9  }
0xb8: {  	_ =	task.clear_ibuf [dreg:s11], $0x8FFFF;
	_ =	strace $0x90000046  }
0xb9: {  	s29 =	simm.s32 $0x9;
	_ =	strace $0x80000048  }
0xba: {  	_ =	swait.ge [sflag:s29], $0x1  }
0xbb: {  	[sflag:s29] =	ssyncadd.s32 $0xFFFFFFFF  }
0xbc: {  	_ =	strace $0x90000048  }
0xbd: {  	_ =	sfence  }
0xbe: {  	s30 =	sld [smem:$0x0];
	_ =	sdelay $0x2  }
0xbf: {  	s31 =	sshll.u32 s1, $0xD;
	s1 =	sshrl.u32 s1, $0x2  }
0xc0: {  	s3 =	sand.u32 $0x4000, s31;
	s1 =	sadd.s32 s1, s30  }
0xc1: {  	s0 =	sor.u32 s3, s0;
	s1 =	sshll.u32 s1, $0x11  }
0xc2: {  	s0 =	sor.u32 s1, s0  }
0xc3: {  	s0 =	sadd.s32 $0x8F2B, s0  }
0xc4: {  	[sflag:s0] =	ssyncadd.remote.s32 $0x1  }
0xc5: {  	_ =	sfence.sel $0xFFFF  }
0xc6: {  	[dreg:$0x0] =	wrdreg $0xFFFFFFFF;
	(pc) =	sbr.abs _section_cstart, $3  }
0xc7: {  	[dreg:$0x1] =	wrdreg $0xFFFFFFFF  }
0xc8: {  	_ =	task.clear_ibuf [dreg:s11], $0x2FFFF;
	_ =	strace $0x9FFFFFFF  }
0xc9: {  	(tm) =	ssettm $0x7FFFFFFF  }
tec
execute0_lowered:
.L_overlay_start_1:
0x0: {  	(tag) =	ssettag $0x1  }
0x1: {  	s5 =	rddreg [dreg:$0x0]  }
0x2: {  	s6 =	rddreg [dreg:$0x1]  }
0x3: {  	s1 =	rddreg [dreg:$0x2]  }
0x4: {  	s2 =	rddreg [dreg:$0x3]  }
0x5: {  	s0 =	srdreg.scid;
	s7 =	rddreg [dreg:$0x4];
	s4 =	simm.s32 $0x0  }
0x6: {  	s3 =	stileid.u32;
	s13 =	simm.s32 $0x2000;
	s14 =	simm.s32 $0x2400  }
0x7: {  	s15 =	simm.s32 $0x0;
	s8 =	sand.u32 $0x1, s0;
	s0 =	rddreg [dreg:$0x5]  }
0x8: {  	[smem:$0x7FF] =	sst s4;
	s30 =	sshll.u32 s3, $0x9;
	s9 =	ssub.s32 $0x2, s8  }
0x9: {  	s11 =	sshrl.u32 s3, $0x1;
	_ =	strace $0x80000047;
	s10 =	sshrl.u32 s9, $0x1  }
0xa: {  	s8 =	sshll.u32 s8, $0x8;
	s9 =	ssub.s32 s9, s10;
	s10 =	sand.u32 $0x200, s30  }
0xb: {  	s31 =	sshll.u32 s11, $0xE;
	s12 =	sshll.u32 s11, $0xD;
	s8 =	sor.u32 s8, s10  }
0xc: {  	s11 =	sshll.u32 s11, $0xA;
	s10 =	sor.u32 s31, s8;
	s12 =	sor.u32 s12, s8  }
0xd: {  	s8 =	sor.u32 s11, s8;
	s11 =	simm.s32 $0x1;
	s10 =	sshrl.u32 s10, $0x3  }
0xe: {  	s12 =	sshrl.u32 s12, $0x3;
	s8 =	sshrl.u32 s8, $0x3;
	s5 =	sadd.s32 s5, s10  }
0xf: {  	s6 =	sadd.s32 s6, s12;
	s7 =	sadd.s32 s7, s8;
	s8 =	smax.u32 s9, $0x1  }
0x10: {  	s9 =	simm.s32 $0x100;
	s10 =	simm.s32 $0x400;
	s12 =	simm.s32 $0x1000  }
.LBB2_1:
0x11: {  	[tilespmem:s4], [sflag:$0x1] =	stream.strided.gather [hbm4b:s5+s9], $0x1000, s10, s9, $0x38;
	[tilespmem:$0x2500] =	vst v63  }
0x12: {  	_ =	swait.ge [sflag:s11], $0x1000  }
0x13: {  	[sflag:s11] =	ssyncset.done $0x0  }
0x14: {  	[sflag:s11] =	ssyncadd.s32 $0xFFFFF000  }
0x15: {  	[tilespmem:s12], [sflag:$0x1] =	stream.strided.gather [hbm4b:s6+s9], $0x800, s10, s9, $0x38;
	[tilespmem:$0x2500] =	vst v63  }
0x16: {  	_ =	swait.ge [sflag:s11], $0x800  }
0x17: {  	[sflag:s11] =	ssyncset.done $0x0  }
0x18: {  	s16 =	simm.s32 $0x1800;
	[sflag:s11] =	ssyncadd.s32 $0xFFFFF800  }
0x19: {  	[tilespmem:s16], [sflag:$0x1] =	stream.linear.gather [hbm4b:s1+s4], $0x800, $0x38;
	[tilespmem:$0x2500] =	vst v63  }
0x1a: {  	_ =	swait.ge [sflag:s11], $0x800  }
0x1b: {  	[sflag:s11] =	ssyncset.done $0x0  }
0x1c: {  	[sflag:s11] =	ssyncadd.s32 $0xFFFFF800  }
0x1d: {  	[tilespmem:s13], [sflag:$0x1] =	stream.linear.gather [hbm4b:s2+s4], $0x400, $0x38;
	[tilespmem:$0x2500] =	vst v63  }
0x1e: {  	_ =	swait.ge [sflag:s11], $0x400  }
0x1f: {  	s17 =	sand.u32 $0x3C00, s4;
	[sflag:s11] =	ssyncset.done $0x0  }
0x20: {  	s18 =	sand.u32 $0x70, s4;
	s17 =	sshrl.u32 s17, $0x2;
	[sflag:s11] =	ssyncadd.s32 $0xFFFFFC00  }
0x21: {  	s18 =	sor.u32 s18, s17;
	v2 =	vld [tilespmem:s16+$0x0]  }
0x22: {  	v3 =	vld [tilespmem:s18+$0x0]  }
0x23: {  	v0 =	vimm.f32 $0.0e+00;
	v1 =	vimm.f32 $0.0e+00;
	s17 =	simm.s32 $0x10;
	s18 =	simm.s32 $0x80  }
.LBB2_2:
0x24: {  	s19 =	sand.u32 $0x3C00, s18;
	p0 =	sne.s32 s17, $0x7F0  }
0x25: {  	s20 =	smov.u32 s17;
	s17 =	sadd.s32 $0x10, s17;
	s16 =	sadd.s32 $0x10, s16  }
.Ltmp0:
0x26: {  	s20 =	sand.u32 $0x70, s20;
	s19 =	sshrl.u32 s19, $0x2;
	(pc) =	sbr.rel @p0 .LBB2_2-.Ltmp0, $4  }
0x27: {  	s19 =	sor.u32 s20, s19;
	v4 =	vmul.f32 v2, v3;
	v2 =	vld [tilespmem:s16+$0x0]  }
0x28: {  	v3 =	vld [tilespmem:s19+$0x0]  }
0x29: {  	v1 =	vadd.f32 v4, v1  }
0x2a: {  	s18 =	sadd.s32 $0x80, s18  }
0x2b: {  	s17 =	simm.s32 $0x0  }
0x2c: {  	s18 =	sand.u32 $0x1C00, s17  }
0x2d: {  	s16 =	simm.s32 $0x2000;
	s17 =	sand.u32 $0x70, s17;
	v3 =	vmul.f32 v2, v3;
	s18 =	sshrl.u32 s18, $0x2  }
0x2e: {  	v2 =	vld [tilespmem:s16+$0x0];
	s18 =	sor.u32 s17, s18  }
0x2f: {  	v1 =	vadd.f32 v3, v1;
	v3 =	vld [tilespmem:s18+$0x1000]  }
0x30: {  	s17 =	simm.s32 $0x10;
	s18 =	simm.s32 $0x80  }
.LBB2_4:
0x31: {  	s19 =	sand.u32 $0x1C00, s18;
	p0 =	sne.s32 s17, $0x3F0  }
0x32: {  	s20 =	smov.u32 s17;
	s17 =	sadd.s32 $0x10, s17;
	s16 =	sadd.s32 $0x10, s16  }
.Ltmp1:
0x33: {  	s20 =	sand.u32 $0x70, s20;
	s19 =	sshrl.u32 s19, $0x2;
	(pc) =	sbr.rel @p0 .LBB2_4-.Ltmp1, $4  }
0x34: {  	s19 =	sor.u32 s20, s19;
	v4 =	vmul.f32 v2, v3;
	v2 =	vld [tilespmem:s16+$0x0]  }
0x35: {  	v3 =	vld [tilespmem:s19+$0x1000]  }
0x36: {  	v0 =	vadd.f32 v4, v0  }
0x37: {  	s18 =	sadd.s32 $0x80, s18  }
0x38: {  	_ =	sdelay $0x1  }
0x39: {  	v2 =	vmul.f32 v2, v3;
	_ =	sdelay $0x1  }
0x3a: {  	v0 =	vadd.f32 v2, v0;
	_ =	sdelay $0x1  }
0x3b: {  	v0 =	vmul.f32 $5.000000000e-01, v0;
	_ =	sdelay $0x1  }
0x3c: {  	s16 =	simm.s32 $0x0;
	v0 =	vadd.f32 v0, v1  }
0x3d: {  	s19 =	sand.u32 $0x3C00, s16  }
0x3e: {  	s18 =	simm.s32 $0x1800;
	s17 =	sand.u32 $0x70, s16;
	s19 =	sshrl.u32 s19, $0x2;
	[tilespmem:$0x2400] =	vst v0  }
0x3f: {  	s20 =	sor.u32 s17, s19;
	v2 =	vld [tilespmem:s18+$0x0]  }
0x40: {  	v3 =	vld [tilespmem:s20+$0x80]  }
0x41: {  	s19 =	simm.s32 $0x10;
	v1 =	vimm.f32 $0.0e+00;
	v0 =	vimm.f32 $0.0e+00;
	s20 =	simm.s32 $0x80  }
.LBB2_6:
0x42: {  	s21 =	sand.u32 $0x3C00, s20;
	p0 =	sne.s32 s19, $0x7F0  }
0x43: {  	s22 =	smov.u32 s19;
	s19 =	sadd.s32 $0x10, s19;
	s18 =	sadd.s32 $0x10, s18  }
.Ltmp2:
0x44: {  	s22 =	sand.u32 $0x70, s22;
	s21 =	sshrl.u32 s21, $0x2;
	(pc) =	sbr.rel @p0 .LBB2_6-.Ltmp2, $4  }
0x45: {  	s21 =	sor.u32 s22, s21;
	v4 =	vmul.f32 v2, v3;
	v2 =	vld [tilespmem:s18+$0x0]  }
0x46: {  	v3 =	vld [tilespmem:s21+$0x80]  }
0x47: {  	v1 =	vadd.f32 v4, v1  }
0x48: {  	s20 =	sadd.s32 $0x80, s20  }
0x49: {  	_ = 	snop  }
0x4a: {  	s18 =	sand.u32 $0x1C00, s16  }
0x4b: {  	s16 =	simm.s32 $0x2000;
	s18 =	sshrl.u32 s18, $0x2;
	v3 =	vmul.f32 v2, v3  }
0x4c: {  	s18 =	sor.u32 s17, s18;
	v2 =	vld [tilespmem:s16+$0x0]  }
0x4d: {  	v1 =	vadd.f32 v3, v1;
	v3 =	vld [tilespmem:s18+$0x1080]  }
0x4e: {  	s17 =	simm.s32 $0x10;
	s18 =	simm.s32 $0x80  }
.LBB2_8:
0x4f: {  	s19 =	sand.u32 $0x1C00, s18;
	p0 =	sne.s32 s17, $0x3F0  }
0x50: {  	s20 =	smov.u32 s17;
	s17 =	sadd.s32 $0x10, s17;
	s16 =	sadd.s32 $0x10, s16  }
.Ltmp3:
0x51: {  	s20 =	sand.u32 $0x70, s20;
	s19 =	sshrl.u32 s19, $0x2;
	(pc) =	sbr.rel @p0 .LBB2_8-.Ltmp3, $4  }
0x52: {  	s19 =	sor.u32 s20, s19;
	v4 =	vmul.f32 v2, v3;
	v2 =	vld [tilespmem:s16+$0x0]  }
0x53: {  	v3 =	vld [tilespmem:s19+$0x1080]  }
0x54: {  	v0 =	vadd.f32 v4, v0  }
0x55: {  	s18 =	sadd.s32 $0x80, s18  }
0x56: {  	_ =	sdelay $0x1  }
0x57: {  	v2 =	vmul.f32 v2, v3;
	_ =	sdelay $0x1  }
0x58: {  	v0 =	vadd.f32 v2, v0;
	_ =	sdelay $0x1  }
0x59: {  	v0 =	vmul.f32 $5.000000000e-01, v0;
	_ =	sdelay $0x1  }
0x5a: {  	s15 =	sadd.s32 $0x1, s15;
	v0 =	vadd.f32 v0, v1  }
0x5b: {  	p0 =	sne.s32 s15, s8  }
.Ltmp4:
0x5c: {  	[tilespmem:$0x2480] =	vst v0;
	(pc) =	sbr.rel @p0 .LBB2_1-.Ltmp4, $4  }
0x5d: {  	[hbm4b:s7+s4] =	stream.linear.scatter [tilespmem:s14], [sflag:$0x1], $0x100, $0x38;
	[tilespmem:$0x2500] =	vst v63  }
0x5e: {  	_ =	swait.ge [sflag:s11], $0x100  }
0x5f: {  	[sflag:s11] =	ssyncset.done $0x0  }
0x60: {  	[sflag:s11] =	ssyncadd.s32 $0xFFFFFF00  }
0x61: {  	_ =	sfence.sel $0x180000  }
0x62: {  	[bflag:$0x0] =	sbarrier.arrive $0xFFFF  }
0x63: {  	p0 =	sne.s32 s3, $0x0;
	_ =	strace $0x90000047  }
0x64: {  	s0 =	sadd.s32 @!p0 $0x100000, s0;
	[bflag:$0x2] =	sbarrier.arrive $0xFFFF  }
0x65: {  	[sflag:s0] =	ssyncadd.tile.s32 @!p0 $0x1;
	_ =	shalt  }
.Lfunc_end2:
_tile_overlayer_lowered:
.L_overlay_start_2:
0x66: {  	(tag) =	ssettag $0x2  }
0x67: {  	s0 =	rddreg [dreg:$0x0];
	s2 =	stileid.u32  }
0x68: {  	s1 =	rddreg [dreg:$0x1];
	p0 =	sne.s32 s2, $0x0  }
0x69: {  	s3 =	rddreg [dreg:$0x2];
	[bflag:$0x3] =	sbarrier.arrive $0xFFFF;
	s2 =	simm.s32 @!p0 $0x1C01  }
0x6a: {  	[timem:s3], [sflag:s2] =	dma.local @!p0 [hbm:s0], s1  }
0x6b: {  	s0 =	simm.s32 @!p0 $0x1  }
0x6c: {  	_ =	swait.ge @!p0 [sflag:s0], s1  }
0x6d: {  	s1 =	ssub.s32 @!p0 $0x0, s1;
	[sflag:s0] =	ssyncset.done @!p0 $0x0  }
0x6e: {  	[sflag:s0] =	ssyncadd.s32 @!p0 s1  }
0x6f: {  	[bflag:$0x3] =	sbarrier.arrive $0xFFFF  }
0x70: {  	_ =	shalt  }

</sc_bundles>
